<compile_context>
chip_gen: v7x
topology: tpu7x:2x2x1
jax: 0.10.2.dev20260603
libtpu: 0.0.44.dev20260713+nightly
codegen_flags: <defaults>
</compile_context>

<pallas_src>
import jax
import jax.numpy as jnp
from jax import lax
from jax.experimental import pallas as pl
from jax.experimental.pallas import tpu as pltpu
from jax.experimental.pallas import tpu_sc as plsc

VOCAB = 1000000
DIM = 64
SEQ = 200
BATCH = 4096

NC, NS = 2, 16
NW = NC * NS
BBLK = BATCH // NW


def _body(tok_hbm, bias_hbm, table_hbm, out_hbm, tok_v, bias_v,
          gbuf0, gbuf1, obuf0, obuf1, gsem0, gsem1, osem0, osem1):
    wid = lax.axis_index("s") * NC + lax.axis_index("c")
    pltpu.sync_copy(tok_hbm.at[wid], tok_v)
    pltpu.sync_copy(bias_hbm.at[pl.ds(wid * BBLK, BBLK)], bias_v)
    gbufs = (gbuf0, gbuf1)
    obufs = (obuf0, obuf1)
    gsems = (gsem0, gsem1)
    osems = (osem0, osem1)

    def issue_gather(s, b):
        pltpu.async_copy(table_hbm.at[tok_v.at[s]], gbufs[b], gsems[b])

    def wait_gather(s, b):
        pltpu.make_async_copy(table_hbm.at[tok_v.at[s]], gbufs[b],
                              gsems[b]).wait()

    def issue_write(s, b):
        pltpu.async_copy(obufs[b],
                         out_hbm.at[s, pl.ds(wid * BBLK, BBLK)], osems[b])

    def wait_write(s, b):
        pltpu.make_async_copy(obufs[b],
                              out_hbm.at[s, pl.ds(wid * BBLK, BBLK)],
                              osems[b]).wait()

    def add_bias(b):
        gb, ob = gbufs[b], obufs[b]

        def jloop(j, _):
            for k in range(DIM // 16):
                ob[j, pl.ds(k * 16, 16)] = (
                    gb[j, pl.ds(k * 16, 16)] + bias_v[j, pl.ds(k * 16, 16)])
            return 0

        lax.fori_loop(0, BBLK, jloop, 0)

    issue_gather(0, 0)

    def outer(cc, _):
        for b in range(2):
            s = cc * 2 + b

            @pl.when(s + 1 < SEQ)
            def _():
                issue_gather(s + 1, 1 - b)

            @pl.when(s >= 2)
            def _():
                wait_write(s - 2, b)

            wait_gather(s, b)
            add_bias(b)
            issue_write(s, b)
        return 0

    lax.fori_loop(0, SEQ // 2, outer, 0)
    wait_write(SEQ - 2, 0)
    wait_write(SEQ - 1, 1)


@jax.jit
def _run(tok_blocked, bias, table_padded):
    mesh = plsc.VectorSubcoreMesh(core_axis_name="c", subcore_axis_name="s")
    f = pl.kernel(
        _body,
        out_type=jax.ShapeDtypeStruct((SEQ, BATCH, DIM), jnp.float32),
        mesh=mesh,
        scratch_types=[
            pltpu.VMEM((SEQ, BBLK), jnp.int32),
            pltpu.VMEM((BBLK, DIM), jnp.float32),
            pltpu.VMEM((BBLK, 128), jnp.float32),
            pltpu.VMEM((BBLK, 128), jnp.float32),
            pltpu.VMEM((BBLK, DIM), jnp.float32),
            pltpu.VMEM((BBLK, DIM), jnp.float32),
            pltpu.SemaphoreType.DMA,
            pltpu.SemaphoreType.DMA,
            pltpu.SemaphoreType.DMA,
            pltpu.SemaphoreType.DMA,
        ],
        compiler_params=pltpu.CompilerParams(use_tc_tiling_on_sc=True),
    )
    return f(tok_blocked, bias, table_padded)


def kernel(tokens, table, condition_bias):
    tok_blocked = (tokens.astype(jnp.int32)
                   .reshape(SEQ, NW, BBLK)
                   .transpose(1, 0, 2))
    table_padded = jnp.pad(table, ((0, 0), (0, 128 - DIM)))
    return _run(tok_blocked, condition_bias, table_padded)

# --- scband reference (transcript-rebuilt; emitter-appended) ---
"""Pipeline reference for scband-conditioned-embedding-14061722927955 (READ-ONLY COPY).

The authoritative reference and input builder live on the scoring server;
editing this copy changes nothing except your own understanding.
"""

import jax, jax.numpy as jnp
import numpy as np

VOCAB = 1000000
DIM = 64
SEQ = 200
BATCH = 4096
PADDING_IDX = 0


def setup_inputs(seed: int = 0) -> dict:
    key = jax.random.key(seed)
    k1, k2, k3 = jax.random.split(key, 3)
    tokens = jax.random.randint(k1, (SEQ, BATCH), 0, VOCAB, dtype=jnp.int64 if jax.config.jax_enable_x64 else jnp.int32)
    table = jax.random.normal(k2, (VOCAB, DIM), dtype=jnp.float32) * 0.02
    # nn.Embedding zeros the padding_idx row at init
    table = table.at[PADDING_IDX].set(0.0)
    condition_bias = jax.random.normal(k3, (BATCH, DIM), dtype=jnp.float32) * 0.02
    return {"tokens": tokens, "table": table, "condition_bias": condition_bias}


def reference(tokens, table, condition_bias):
    # x = original_embedding(tokens): gather rows of the table
    x = jnp.take(table, tokens, axis=0)          # (seq_len, batch, dim)
    # wrapper.condition_bias is not None branch: x = x + condition_bias.unsqueeze(0)
    x = x + condition_bias[None, :, :]
    return x

if __name__ == "__main__":
    import jax
    _d = setup_inputs()
    print(jax.jit(kernel)(*tuple(_d.values())))

</pallas_src>

<mosaic_0001>
#map = affine_map<(d0, d1) -> (0, 0, 0)>
#map1 = affine_map<(d0, d1) -> (0, 0)>
module attributes {stable_mosaic.version = 14 : i64} {
  func.func @_body(%arg0: i32, %arg1: i32, %arg2: memref<32x200x128xi32, #tpu.memory_space<hbm>>, %arg3: memref<4096x64xf32, #tpu.memory_space<hbm>>, %arg4: memref<1000000x128xf32, #tpu.memory_space<hbm>>, %arg5: memref<200x4096x64xf32, #tpu.memory_space<hbm>>, %arg6: memref<200x128xi32, #tpu.memory_space<vmem>>, %arg7: memref<128x64xf32, #tpu.memory_space<vmem>>, %arg8: memref<128x128xf32, #tpu.memory_space<vmem>>, %arg9: memref<128x128xf32, #tpu.memory_space<vmem>>, %arg10: memref<128x64xf32, #tpu.memory_space<vmem>>, %arg11: memref<128x64xf32, #tpu.memory_space<vmem>>, %arg12: memref<!tpu.dma_semaphore, #tpu.memory_space<semaphore_mem>>, %arg13: memref<!tpu.dma_semaphore, #tpu.memory_space<semaphore_mem>>, %arg14: memref<!tpu.dma_semaphore, #tpu.memory_space<semaphore_mem>>, %arg15: memref<!tpu.dma_semaphore, #tpu.memory_space<semaphore_mem>>) attributes {dimension_semantics = [#tpu.dimension_semantics<core_parallel>, #tpu.dimension_semantics<subcore_parallel>], iteration_bounds = array<i64: 2, 16>, scalar_prefetch = 0 : i64, scratch_operands = 10 : i64, tpu.core_type = #tpu.core_type<sc_vector_subcore>, window_params = [{transform_indices = #map}, {transform_indices = #map1}, {transform_indices = #map1}, {transform_indices = #map}]} {
    %mul3A = arith.constant 2 : i32
    %mul3A_0 = arith.muli %arg1, %mul3A : i32
    %add3A = arith.addi %mul3A_0, %arg0 : i32
    "tpu.region"() ({
      %run_scoped3A = tpu.sem_alloc : memref<!tpu.dma_semaphore, #tpu.memory_space<semaphore_mem>>
      %dma_start3A_32 = arith.constant 0 : i32
      %dma_start3A_33 = arith.constant 0 : i32
      %dma_start3A_34 = tpu.memref_slice %arg2[%add3A, %dma_start3A_32, %dma_start3A_33] : memref<32x200x128xi32, #tpu.memory_space<hbm>> -> memref<1x200x128xi32, #tpu.memory_space<hbm>>
      %dma_start3A_35 = tpu.memref_squeeze %dma_start3A_34 : memref<1x200x128xi32, #tpu.memory_space<hbm>> -> memref<200x128xi32, #tpu.memory_space<hbm>>
      %dma_start3A_36 = arith.constant 0 : i32
      %dma_start3A_37 = arith.constant 0 : i32
      %dma_start3A_38 = tpu.memref_slice %arg2[%add3A, %dma_start3A_36, %dma_start3A_37] : memref<32x200x128xi32, #tpu.memory_space<hbm>> -> memref<1x200x128xi32, #tpu.memory_space<hbm>>
      %dma_start3A_39 = tpu.memref_squeeze %dma_start3A_38 : memref<1x200x128xi32, #tpu.memory_space<hbm>> -> memref<200x128xi32, #tpu.memory_space<hbm>>
      tpu.enqueue_dma source(%dma_start3A_39 : memref<200x128xi32, #tpu.memory_space<hbm>>) target(%arg6 : memref<200x128xi32, #tpu.memory_space<vmem>>) target_semaphore(%run_scoped3A : memref<!tpu.dma_semaphore, #tpu.memory_space<semaphore_mem>>)
      %dma_wait3A_40 = arith.constant 0 : i32
      %dma_wait3A_41 = arith.constant 0 : i32
      %dma_wait3A_42 = tpu.memref_slice %arg2[%add3A, %dma_wait3A_40, %dma_wait3A_41] : memref<32x200x128xi32, #tpu.memory_space<hbm>> -> memref<1x200x128xi32, #tpu.memory_space<hbm>>
      %dma_wait3A_43 = tpu.memref_squeeze %dma_wait3A_42 : memref<1x200x128xi32, #tpu.memory_space<hbm>> -> memref<200x128xi32, #tpu.memory_space<hbm>>
      %dma_wait3A_44 = arith.constant 0 : i32
      %dma_wait3A_45 = arith.constant 0 : i32
      %dma_wait3A_46 = tpu.memref_slice %arg2[%add3A, %dma_wait3A_44, %dma_wait3A_45] : memref<32x200x128xi32, #tpu.memory_space<hbm>> -> memref<1x200x128xi32, #tpu.memory_space<hbm>>
      %dma_wait3A_47 = tpu.memref_squeeze %dma_wait3A_46 : memref<1x200x128xi32, #tpu.memory_space<hbm>> -> memref<200x128xi32, #tpu.memory_space<hbm>>
      tpu.wait_dma2 semaphore(%run_scoped3A : memref<!tpu.dma_semaphore, #tpu.memory_space<semaphore_mem>>) src(%dma_wait3A_47 : memref<200x128xi32, #tpu.memory_space<hbm>>) dst(%arg6 : memref<200x128xi32, #tpu.memory_space<vmem>>)
      tpu.yield
    }) : () -> ()
    %mul3A_1 = arith.constant 128 : i32
    %mul3A_2 = arith.muli %add3A, %mul3A_1 : i32
    "tpu.region"() ({
      %run_scoped3A = tpu.sem_alloc : memref<!tpu.dma_semaphore, #tpu.memory_space<semaphore_mem>>
      %dma_start3A_32 = arith.constant 0 : i32
      %dma_start3A_33 = tpu.memref_slice %arg3[%mul3A_2, %dma_start3A_32] : memref<4096x64xf32, #tpu.memory_space<hbm>> -> memref<128x64xf32, #tpu.memory_space<hbm>>
      %dma_start3A_34 = arith.constant 0 : i32
      %dma_start3A_35 = tpu.memref_slice %arg3[%mul3A_2, %dma_start3A_34] : memref<4096x64xf32, #tpu.memory_space<hbm>> -> memref<128x64xf32, #tpu.memory_space<hbm>>
      tpu.enqueue_dma source(%dma_start3A_35 : memref<128x64xf32, #tpu.memory_space<hbm>>) target(%arg7 : memref<128x64xf32, #tpu.memory_space<vmem>>) target_semaphore(%run_scoped3A : memref<!tpu.dma_semaphore, #tpu.memory_space<semaphore_mem>>)
      %dma_wait3A_36 = arith.constant 0 : i32
      %dma_wait3A_37 = tpu.memref_slice %arg3[%mul3A_2, %dma_wait3A_36] : memref<4096x64xf32, #tpu.memory_space<hbm>> -> memref<128x64xf32, #tpu.memory_space<hbm>>
      %dma_wait3A_38 = arith.constant 0 : i32
      %dma_wait3A_39 = tpu.memref_slice %arg3[%mul3A_2, %dma_wait3A_38] : memref<4096x64xf32, #tpu.memory_space<hbm>> -> memref<128x64xf32, #tpu.memory_space<hbm>>
      tpu.wait_dma2 semaphore(%run_scoped3A : memref<!tpu.dma_semaphore, #tpu.memory_space<semaphore_mem>>) src(%dma_wait3A_39 : memref<128x64xf32, #tpu.memory_space<hbm>>) dst(%arg7 : memref<128x64xf32, #tpu.memory_space<vmem>>)
      tpu.yield
    }) : () -> ()
    %dma_start3A = arith.constant 0 : i32
    %dma_start3A_3 = arith.constant 0 : i32
    %dma_start3A_4 = tpu.memref_slice %arg6[%dma_start3A, %dma_start3A_3] : memref<200x128xi32, #tpu.memory_space<vmem>> -> memref<1x128xi32, #tpu.memory_space<vmem>>
    %dma_start3A_5 = tpu.memref_squeeze %dma_start3A_4 : memref<1x128xi32, #tpu.memory_space<vmem>> -> memref<128xi32, #tpu.memory_space<vmem>>
    %dma_start3A_6 = arith.constant 0 : i32
    %dma_start3A_7 = arith.constant 0 : i32
    %dma_start3A_8 = tpu.memref_slice %arg4[%dma_start3A_6, %dma_start3A_7] : memref<1000000x128xf32, #tpu.memory_space<hbm>> -> memref<1000000x128xf32, #tpu.memory_space<hbm>>
    tpu.enqueue_indirect_dma source(%dma_start3A_8 : memref<1000000x128xf32, #tpu.memory_space<hbm>>) target(%arg8 : memref<128x128xf32, #tpu.memory_space<vmem>>) offsets(%dma_start3A_5 : memref<128xi32, #tpu.memory_space<vmem>>) semaphore(%arg12 : memref<!tpu.dma_semaphore, #tpu.memory_space<semaphore_mem>>)
    %scan3A = arith.constant 0 : i32
    %scan3A_9 = arith.constant 0 : i32
    %scan3A_10 = arith.constant 100 : i32
    %scan3A_11 = arith.addi %scan3A_9, %scan3A_10 : i32
    %scan3A_12 = arith.constant 1 : i32
    %scan3A_13 = scf.for %scan3A_32 = %scan3A_9 to %scan3A_11 step %scan3A_12 iter_args(%scan3A_33 = %scan3A) -> (i32)  : i32 {
      %mul3A_34 = arith.constant 2 : i32
      %mul3A_35 = arith.muli %scan3A_32, %mul3A_34 : i32
      %add3A_36 = arith.constant 0 : i32
      %add3A_37 = arith.addi %mul3A_35, %add3A_36 : i32
      %add3A_38 = arith.constant 1 : i32
      %add3A_39 = arith.addi %add3A_37, %add3A_38 : i32
      %lt3A = arith.constant 200 : i32
      %lt3A_40 = arith.cmpi slt, %add3A_39, %lt3A : i32
      %convert_element_type3A = arith.extui %lt3A_40 : i1 to i32
      %cond3A = arith.constant 0 : i32
      %cond3A_41 = arith.cmpi ne, %convert_element_type3A, %cond3A : i32
      scf.if %cond3A_41 {
        %add3A_105 = arith.constant 1 : i32
        %add3A_106 = arith.addi %add3A_37, %add3A_105 : i32
        %dma_start3A_107 = arith.constant 0 : i32
        %dma_start3A_108 = tpu.memref_slice %arg6[%add3A_106, %dma_start3A_107] : memref<200x128xi32, #tpu.memory_space<vmem>> -> memref<1x128xi32, #tpu.memory_space<vmem>>
        %dma_start3A_109 = tpu.memref_squeeze %dma_start3A_108 : memref<1x128xi32, #tpu.memory_space<vmem>> -> memref<128xi32, #tpu.memory_space<vmem>>
        %dma_start3A_110 = arith.constant 0 : i32
        %dma_start3A_111 = arith.constant 0 : i32
        %dma_start3A_112 = tpu.memref_slice %arg4[%dma_start3A_110, %dma_start3A_111] : memref<1000000x128xf32, #tpu.memory_space<hbm>> -> memref<1000000x128xf32, #tpu.memory_space<hbm>>
        tpu.enqueue_indirect_dma source(%dma_start3A_112 : memref<1000000x128xf32, #tpu.memory_space<hbm>>) target(%arg9 : memref<128x128xf32, #tpu.memory_space<vmem>>) offsets(%dma_start3A_109 : memref<128xi32, #tpu.memory_space<vmem>>) semaphore(%arg13 : memref<!tpu.dma_semaphore, #tpu.memory_space<semaphore_mem>>)
      } else {
      }
      %ge3A = arith.constant 2 : i32
      %ge3A_42 = arith.cmpi sge, %add3A_37, %ge3A : i32
      %convert_element_type3A_43 = arith.extui %ge3A_42 : i1 to i32
      %cond3A_44 = arith.constant 0 : i32
      %cond3A_45 = arith.cmpi ne, %convert_element_type3A_43, %cond3A_44 : i32
      scf.if %cond3A_45 {
        %sub3A = arith.constant 2 : i32
        %sub3A_105 = arith.subi %add3A_37, %sub3A : i32
        %mul3A_106 = arith.constant 128 : i32
        %mul3A_107 = arith.muli %add3A, %mul3A_106 : i32
        %dma_wait3A_108 = arith.constant 0 : i32
        %dma_wait3A_109 = tpu.memref_slice %arg5[%sub3A_105, %mul3A_107, %dma_wait3A_108] : memref<200x4096x64xf32, #tpu.memory_space<hbm>> -> memref<1x128x64xf32, #tpu.memory_space<hbm>>
        %dma_wait3A_110 = tpu.memref_squeeze %dma_wait3A_109 : memref<1x128x64xf32, #tpu.memory_space<hbm>> -> memref<128x64xf32, #tpu.memory_space<hbm>>
        %dma_wait3A_111 = arith.constant 0 : i32
        %dma_wait3A_112 = tpu.memref_slice %arg5[%sub3A_105, %mul3A_107, %dma_wait3A_111] : memref<200x4096x64xf32, #tpu.memory_space<hbm>> -> memref<1x128x64xf32, #tpu.memory_space<hbm>>
        %dma_wait3A_113 = tpu.memref_squeeze %dma_wait3A_112 : memref<1x128x64xf32, #tpu.memory_space<hbm>> -> memref<128x64xf32, #tpu.memory_space<hbm>>
        tpu.wait_dma2 semaphore(%arg14 : memref<!tpu.dma_semaphore, #tpu.memory_space<semaphore_mem>>) src(%arg10 : memref<128x64xf32, #tpu.memory_space<vmem>>) dst(%dma_wait3A_113 : memref<128x64xf32, #tpu.memory_space<hbm>>)
      } else {
      }
      %dma_wait3A_46 = arith.constant 0 : i32
      %dma_wait3A_47 = tpu.memref_slice %arg6[%add3A_37, %dma_wait3A_46] : memref<200x128xi32, #tpu.memory_space<vmem>> -> memref<1x128xi32, #tpu.memory_space<vmem>>
      %dma_wait3A_48 = tpu.memref_squeeze %dma_wait3A_47 : memref<1x128xi32, #tpu.memory_space<vmem>> -> memref<128xi32, #tpu.memory_space<vmem>>
      %dma_wait3A_49 = arith.constant 0 : i32
      %dma_wait3A_50 = arith.constant 0 : i32
      %dma_wait3A_51 = tpu.memref_slice %arg4[%dma_wait3A_49, %dma_wait3A_50] : memref<1000000x128xf32, #tpu.memory_space<hbm>> -> memref<1000000x128xf32, #tpu.memory_space<hbm>>
      tpu.wait_indirect_dma semaphore(%arg12 : memref<!tpu.dma_semaphore, #tpu.memory_space<semaphore_mem>>) src(%dma_wait3A_51 : memref<1000000x128xf32, #tpu.memory_space<hbm>>) dst(%arg8 : memref<128x128xf32, #tpu.memory_space<vmem>>)
      %scan3A_52 = arith.constant 0 : i32
      %scan3A_53 = arith.constant 0 : i32
      %scan3A_54 = arith.constant 128 : i32
      %scan3A_55 = arith.addi %scan3A_53, %scan3A_54 : i32
      %scan3A_56 = arith.constant 1 : i32
      %scan3A_57 = scf.for %scan3A_105 = %scan3A_53 to %scan3A_55 step %scan3A_56 iter_args(%scan3A_106 = %scan3A_52) -> (i32)  : i32 {
        %get3A = arith.index_cast %scan3A_105 : i32 to index
        %get3A_107 = arith.constant 0 : index
        %get3A_108 = tpu.vector_load %arg8[%get3A, %get3A_107] {strides = array<i32>} : memref<128x128xf32, #tpu.memory_space<vmem>>, vector<1x16xf32>,
        %get3A_109 = vector.shape_cast %get3A_108 : vector<1x16xf32> to vector<16xf32>
        %get3A_110 = arith.index_cast %scan3A_105 : i32 to index
        %get3A_111 = arith.constant 0 : index
        %get3A_112 = tpu.vector_load %arg7[%get3A_110, %get3A_111] {strides = array<i32>} : memref<128x64xf32, #tpu.memory_space<vmem>>, vector<1x16xf32>,
        %get3A_113 = vector.shape_cast %get3A_112 : vector<1x16xf32> to vector<16xf32>
        %add3A_114 = arith.addf %get3A_109, %get3A_113 : vector<16xf32>
        %swap3A = arith.index_cast %scan3A_105 : i32 to index
        %swap3A_115 = arith.constant 0 : index
        %swap3A_116 = tpu.vector_load %arg10[%swap3A, %swap3A_115] {strides = array<i32>} : memref<128x64xf32, #tpu.memory_space<vmem>>, vector<1x16xf32>,
        %swap3A_117 = vector.shape_cast %swap3A_116 : vector<1x16xf32> to vector<16xf32>
        %swap3A_118 = vector.shape_cast %add3A_114 : vector<16xf32> to vector<1x16xf32>
        tpu.vector_store %arg10[%swap3A, %swap3A_115], %swap3A_118 {strides = array<i32>} : memref<128x64xf32, #tpu.memory_space<vmem>>, vector<1x16xf32>,
        %get3A_119 = arith.index_cast %scan3A_105 : i32 to index
        %get3A_120 = arith.constant 16 : index
        %get3A_121 = tpu.vector_load %arg8[%get3A_119, %get3A_120] {strides = array<i32>} : memref<128x128xf32, #tpu.memory_space<vmem>>, vector<1x16xf32>,
        %get3A_122 = vector.shape_cast %get3A_121 : vector<1x16xf32> to vector<16xf32>
        %get3A_123 = arith.index_cast %scan3A_105 : i32 to index
        %get3A_124 = arith.constant 16 : index
        %get3A_125 = tpu.vector_load %arg7[%get3A_123, %get3A_124] {strides = array<i32>} : memref<128x64xf32, #tpu.memory_space<vmem>>, vector<1x16xf32>,
        %get3A_126 = vector.shape_cast %get3A_125 : vector<1x16xf32> to vector<16xf32>
        %add3A_127 = arith.addf %get3A_122, %get3A_126 : vector<16xf32>
        %swap3A_128 = arith.index_cast %scan3A_105 : i32 to index
        %swap3A_129 = arith.constant 16 : index
        %swap3A_130 = tpu.vector_load %arg10[%swap3A_128, %swap3A_129] {strides = array<i32>} : memref<128x64xf32, #tpu.memory_space<vmem>>, vector<1x16xf32>,
        %swap3A_131 = vector.shape_cast %swap3A_130 : vector<1x16xf32> to vector<16xf32>
        %swap3A_132 = vector.shape_cast %add3A_127 : vector<16xf32> to vector<1x16xf32>
        tpu.vector_store %arg10[%swap3A_128, %swap3A_129], %swap3A_132 {strides = array<i32>} : memref<128x64xf32, #tpu.memory_space<vmem>>, vector<1x16xf32>,
        %get3A_133 = arith.index_cast %scan3A_105 : i32 to index
        %get3A_134 = arith.constant 32 : index
        %get3A_135 = tpu.vector_load %arg8[%get3A_133, %get3A_134] {strides = array<i32>} : memref<128x128xf32, #tpu.memory_space<vmem>>, vector<1x16xf32>,
        %get3A_136 = vector.shape_cast %get3A_135 : vector<1x16xf32> to vector<16xf32>
        %get3A_137 = arith.index_cast %scan3A_105 : i32 to index
        %get3A_138 = arith.constant 32 : index
        %get3A_139 = tpu.vector_load %arg7[%get3A_137, %get3A_138] {strides = array<i32>} : memref<128x64xf32, #tpu.memory_space<vmem>>, vector<1x16xf32>,
        %get3A_140 = vector.shape_cast %get3A_139 : vector<1x16xf32> to vector<16xf32>
        %add3A_141 = arith.addf %get3A_136, %get3A_140 : vector<16xf32>
        %swap3A_142 = arith.index_cast %scan3A_105 : i32 to index
        %swap3A_143 = arith.constant 32 : index
        %swap3A_144 = tpu.vector_load %arg10[%swap3A_142, %swap3A_143] {strides = array<i32>} : memref<128x64xf32, #tpu.memory_space<vmem>>, vector<1x16xf32>,
        %swap3A_145 = vector.shape_cast %swap3A_144 : vector<1x16xf32> to vector<16xf32>
        %swap3A_146 = vector.shape_cast %add3A_141 : vector<16xf32> to vector<1x16xf32>
        tpu.vector_store %arg10[%swap3A_142, %swap3A_143], %swap3A_146 {strides = array<i32>} : memref<128x64xf32, #tpu.memory_space<vmem>>, vector<1x16xf32>,
        %get3A_147 = arith.index_cast %scan3A_105 : i32 to index
        %get3A_148 = arith.constant 48 : index
        %get3A_149 = tpu.vector_load %arg8[%get3A_147, %get3A_148] {strides = array<i32>} : memref<128x128xf32, #tpu.memory_space<vmem>>, vector<1x16xf32>,
        %get3A_150 = vector.shape_cast %get3A_149 : vector<1x16xf32> to vector<16xf32>
        %get3A_151 = arith.index_cast %scan3A_105 : i32 to index
        %get3A_152 = arith.constant 48 : index
        %get3A_153 = tpu.vector_load %arg7[%get3A_151, %get3A_152] {strides = array<i32>} : memref<128x64xf32, #tpu.memory_space<vmem>>, vector<1x16xf32>,
        %get3A_154 = vector.shape_cast %get3A_153 : vector<1x16xf32> to vector<16xf32>
        %add3A_155 = arith.addf %get3A_150, %get3A_154 : vector<16xf32>
        %swap3A_156 = arith.index_cast %scan3A_105 : i32 to index
        %swap3A_157 = arith.constant 48 : index
        %swap3A_158 = tpu.vector_load %arg10[%swap3A_156, %swap3A_157] {strides = array<i32>} : memref<128x64xf32, #tpu.memory_space<vmem>>, vector<1x16xf32>,
        %swap3A_159 = vector.shape_cast %swap3A_158 : vector<1x16xf32> to vector<16xf32>
        %swap3A_160 = vector.shape_cast %add3A_155 : vector<16xf32> to vector<1x16xf32>
        tpu.vector_store %arg10[%swap3A_156, %swap3A_157], %swap3A_160 {strides = array<i32>} : memref<128x64xf32, #tpu.memory_space<vmem>>, vector<1x16xf32>,
        %scan3A_161 = arith.constant 0 : i32
        scf.yield %scan3A_161 : i32
      }
      %scan3A_58 = arith.constant 128 : i32
      %mul3A_59 = arith.constant 128 : i32
      %mul3A_60 = arith.muli %add3A, %mul3A_59 : i32
      %dma_start3A_61 = arith.constant 0 : i32
      %dma_start3A_62 = tpu.memref_slice %arg5[%add3A_37, %mul3A_60, %dma_start3A_61] : memref<200x4096x64xf32, #tpu.memory_space<hbm>> -> memref<1x128x64xf32, #tpu.memory_space<hbm>>
      %dma_start3A_63 = tpu.memref_squeeze %dma_start3A_62 : memref<1x128x64xf32, #tpu.memory_space<hbm>> -> memref<128x64xf32, #tpu.memory_space<hbm>>
      %dma_start3A_64 = arith.constant 0 : i32
      %dma_start3A_65 = tpu.memref_slice %arg5[%add3A_37, %mul3A_60, %dma_start3A_64] : memref<200x4096x64xf32, #tpu.memory_space<hbm>> -> memref<1x128x64xf32, #tpu.memory_space<hbm>>
      %dma_start3A_66 = tpu.memref_squeeze %dma_start3A_65 : memref<1x128x64xf32, #tpu.memory_space<hbm>> -> memref<128x64xf32, #tpu.memory_space<hbm>>
      tpu.enqueue_dma source(%arg10 : memref<128x64xf32, #tpu.memory_space<vmem>>) target(%dma_start3A_66 : memref<128x64xf32, #tpu.memory_space<hbm>>) target_semaphore(%arg14 : memref<!tpu.dma_semaphore, #tpu.memory_space<semaphore_mem>>)
      %mul3A_67 = arith.constant 2 : i32
      %mul3A_68 = arith.muli %scan3A_32, %mul3A_67 : i32
      %add3A_69 = arith.constant 1 : i32
      %add3A_70 = arith.addi %mul3A_68, %add3A_69 : i32
      %add3A_71 = arith.constant 1 : i32
      %add3A_72 = arith.addi %add3A_70, %add3A_71 : i32
      %lt3A_73 = arith.constant 200 : i32
      %lt3A_74 = arith.cmpi slt, %add3A_72, %lt3A_73 : i32
      %convert_element_type3A_75 = arith.extui %lt3A_74 : i1 to i32
      %cond3A_76 = arith.constant 0 : i32
      %cond3A_77 = arith.cmpi ne, %convert_element_type3A_75, %cond3A_76 : i32
      scf.if %cond3A_77 {
        %add3A_105 = arith.constant 1 : i32
        %add3A_106 = arith.addi %add3A_70, %add3A_105 : i32
        %dma_start3A_107 = arith.constant 0 : i32
        %dma_start3A_108 = tpu.memref_slice %arg6[%add3A_106, %dma_start3A_107] : memref<200x128xi32, #tpu.memory_space<vmem>> -> memref<1x128xi32, #tpu.memory_space<vmem>>
        %dma_start3A_109 = tpu.memref_squeeze %dma_start3A_108 : memref<1x128xi32, #tpu.memory_space<vmem>> -> memref<128xi32, #tpu.memory_space<vmem>>
        %dma_start3A_110 = arith.constant 0 : i32
        %dma_start3A_111 = arith.constant 0 : i32
        %dma_start3A_112 = tpu.memref_slice %arg4[%dma_start3A_110, %dma_start3A_111] : memref<1000000x128xf32, #tpu.memory_space<hbm>> -> memref<1000000x128xf32, #tpu.memory_space<hbm>>
        tpu.enqueue_indirect_dma source(%dma_start3A_112 : memref<1000000x128xf32, #tpu.memory_space<hbm>>) target(%arg8 : memref<128x128xf32, #tpu.memory_space<vmem>>) offsets(%dma_start3A_109 : memref<128xi32, #tpu.memory_space<vmem>>) semaphore(%arg12 : memref<!tpu.dma_semaphore, #tpu.memory_space<semaphore_mem>>)
      } else {
      }
      %ge3A_78 = arith.constant 2 : i32
      %ge3A_79 = arith.cmpi sge, %add3A_70, %ge3A_78 : i32
      %convert_element_type3A_80 = arith.extui %ge3A_79 : i1 to i32
      %cond3A_81 = arith.constant 0 : i32
      %cond3A_82 = arith.cmpi ne, %convert_element_type3A_80, %cond3A_81 : i32
      scf.if %cond3A_82 {
        %sub3A = arith.constant 2 : i32
        %sub3A_105 = arith.subi %add3A_70, %sub3A : i32
        %mul3A_106 = arith.constant 128 : i32
        %mul3A_107 = arith.muli %add3A, %mul3A_106 : i32
        %dma_wait3A_108 = arith.constant 0 : i32
        %dma_wait3A_109 = tpu.memref_slice %arg5[%sub3A_105, %mul3A_107, %dma_wait3A_108] : memref<200x4096x64xf32, #tpu.memory_space<hbm>> -> memref<1x128x64xf32, #tpu.memory_space<hbm>>
        %dma_wait3A_110 = tpu.memref_squeeze %dma_wait3A_109 : memref<1x128x64xf32, #tpu.memory_space<hbm>> -> memref<128x64xf32, #tpu.memory_space<hbm>>
        %dma_wait3A_111 = arith.constant 0 : i32
        %dma_wait3A_112 = tpu.memref_slice %arg5[%sub3A_105, %mul3A_107, %dma_wait3A_111] : memref<200x4096x64xf32, #tpu.memory_space<hbm>> -> memref<1x128x64xf32, #tpu.memory_space<hbm>>
        %dma_wait3A_113 = tpu.memref_squeeze %dma_wait3A_112 : memref<1x128x64xf32, #tpu.memory_space<hbm>> -> memref<128x64xf32, #tpu.memory_space<hbm>>
        tpu.wait_dma2 semaphore(%arg15 : memref<!tpu.dma_semaphore, #tpu.memory_space<semaphore_mem>>) src(%arg11 : memref<128x64xf32, #tpu.memory_space<vmem>>) dst(%dma_wait3A_113 : memref<128x64xf32, #tpu.memory_space<hbm>>)
      } else {
      }
      %dma_wait3A_83 = arith.constant 0 : i32
      %dma_wait3A_84 = tpu.memref_slice %arg6[%add3A_70, %dma_wait3A_83] : memref<200x128xi32, #tpu.memory_space<vmem>> -> memref<1x128xi32, #tpu.memory_space<vmem>>
      %dma_wait3A_85 = tpu.memref_squeeze %dma_wait3A_84 : memref<1x128xi32, #tpu.memory_space<vmem>> -> memref<128xi32, #tpu.memory_space<vmem>>
      %dma_wait3A_86 = arith.constant 0 : i32
      %dma_wait3A_87 = arith.constant 0 : i32
      %dma_wait3A_88 = tpu.memref_slice %arg4[%dma_wait3A_86, %dma_wait3A_87] : memref<1000000x128xf32, #tpu.memory_space<hbm>> -> memref<1000000x128xf32, #tpu.memory_space<hbm>>
      tpu.wait_indirect_dma semaphore(%arg13 : memref<!tpu.dma_semaphore, #tpu.memory_space<semaphore_mem>>) src(%dma_wait3A_88 : memref<1000000x128xf32, #tpu.memory_space<hbm>>) dst(%arg9 : memref<128x128xf32, #tpu.memory_space<vmem>>)
      %scan3A_89 = arith.constant 0 : i32
      %scan3A_90 = arith.constant 0 : i32
      %scan3A_91 = arith.constant 128 : i32
      %scan3A_92 = arith.addi %scan3A_90, %scan3A_91 : i32
      %scan3A_93 = arith.constant 1 : i32
      %scan3A_94 = scf.for %scan3A_105 = %scan3A_90 to %scan3A_92 step %scan3A_93 iter_args(%scan3A_106 = %scan3A_89) -> (i32)  : i32 {
        %get3A = arith.index_cast %scan3A_105 : i32 to index
        %get3A_107 = arith.constant 0 : index
        %get3A_108 = tpu.vector_load %arg9[%get3A, %get3A_107] {strides = array<i32>} : memref<128x128xf32, #tpu.memory_space<vmem>>, vector<1x16xf32>,
        %get3A_109 = vector.shape_cast %get3A_108 : vector<1x16xf32> to vector<16xf32>
        %get3A_110 = arith.index_cast %scan3A_105 : i32 to index
        %get3A_111 = arith.constant 0 : index
        %get3A_112 = tpu.vector_load %arg7[%get3A_110, %get3A_111] {strides = array<i32>} : memref<128x64xf32, #tpu.memory_space<vmem>>, vector<1x16xf32>,
        %get3A_113 = vector.shape_cast %get3A_112 : vector<1x16xf32> to vector<16xf32>
        %add3A_114 = arith.addf %get3A_109, %get3A_113 : vector<16xf32>
        %swap3A = arith.index_cast %scan3A_105 : i32 to index
        %swap3A_115 = arith.constant 0 : index
        %swap3A_116 = tpu.vector_load %arg11[%swap3A, %swap3A_115] {strides = array<i32>} : memref<128x64xf32, #tpu.memory_space<vmem>>, vector<1x16xf32>,
        %swap3A_117 = vector.shape_cast %swap3A_116 : vector<1x16xf32> to vector<16xf32>
        %swap3A_118 = vector.shape_cast %add3A_114 : vector<16xf32> to vector<1x16xf32>
        tpu.vector_store %arg11[%swap3A, %swap3A_115], %swap3A_118 {strides = array<i32>} : memref<128x64xf32, #tpu.memory_space<vmem>>, vector<1x16xf32>,
        %get3A_119 = arith.index_cast %scan3A_105 : i32 to index
        %get3A_120 = arith.constant 16 : index
        %get3A_121 = tpu.vector_load %arg9[%get3A_119, %get3A_120] {strides = array<i32>} : memref<128x128xf32, #tpu.memory_space<vmem>>, vector<1x16xf32>,
        %get3A_122 = vector.shape_cast %get3A_121 : vector<1x16xf32> to vector<16xf32>
        %get3A_123 = arith.index_cast %scan3A_105 : i32 to index
        %get3A_124 = arith.constant 16 : index
        %get3A_125 = tpu.vector_load %arg7[%get3A_123, %get3A_124] {strides = array<i32>} : memref<128x64xf32, #tpu.memory_space<vmem>>, vector<1x16xf32>,
        %get3A_126 = vector.shape_cast %get3A_125 : vector<1x16xf32> to vector<16xf32>
        %add3A_127 = arith.addf %get3A_122, %get3A_126 : vector<16xf32>
        %swap3A_128 = arith.index_cast %scan3A_105 : i32 to index
        %swap3A_129 = arith.constant 16 : index
        %swap3A_130 = tpu.vector_load %arg11[%swap3A_128, %swap3A_129] {strides = array<i32>} : memref<128x64xf32, #tpu.memory_space<vmem>>, vector<1x16xf32>,
        %swap3A_131 = vector.shape_cast %swap3A_130 : vector<1x16xf32> to vector<16xf32>
        %swap3A_132 = vector.shape_cast %add3A_127 : vector<16xf32> to vector<1x16xf32>
        tpu.vector_store %arg11[%swap3A_128, %swap3A_129], %swap3A_132 {strides = array<i32>} : memref<128x64xf32, #tpu.memory_space<vmem>>, vector<1x16xf32>,
        %get3A_133 = arith.index_cast %scan3A_105 : i32 to index
        %get3A_134 = arith.constant 32 : index
        %get3A_135 = tpu.vector_load %arg9[%get3A_133, %get3A_134] {strides = array<i32>} : memref<128x128xf32, #tpu.memory_space<vmem>>, vector<1x16xf32>,
        %get3A_136 = vector.shape_cast %get3A_135 : vector<1x16xf32> to vector<16xf32>
        %get3A_137 = arith.index_cast %scan3A_105 : i32 to index
        %get3A_138 = arith.constant 32 : index
        %get3A_139 = tpu.vector_load %arg7[%get3A_137, %get3A_138] {strides = array<i32>} : memref<128x64xf32, #tpu.memory_space<vmem>>, vector<1x16xf32>,
        %get3A_140 = vector.shape_cast %get3A_139 : vector<1x16xf32> to vector<16xf32>
        %add3A_141 = arith.addf %get3A_136, %get3A_140 : vector<16xf32>
        %swap3A_142 = arith.index_cast %scan3A_105 : i32 to index
        %swap3A_143 = arith.constant 32 : index
        %swap3A_144 = tpu.vector_load %arg11[%swap3A_142, %swap3A_143] {strides = array<i32>} : memref<128x64xf32, #tpu.memory_space<vmem>>, vector<1x16xf32>,
        %swap3A_145 = vector.shape_cast %swap3A_144 : vector<1x16xf32> to vector<16xf32>
        %swap3A_146 = vector.shape_cast %add3A_141 : vector<16xf32> to vector<1x16xf32>
        tpu.vector_store %arg11[%swap3A_142, %swap3A_143], %swap3A_146 {strides = array<i32>} : memref<128x64xf32, #tpu.memory_space<vmem>>, vector<1x16xf32>,
        %get3A_147 = arith.index_cast %scan3A_105 : i32 to index
        %get3A_148 = arith.constant 48 : index
        %get3A_149 = tpu.vector_load %arg9[%get3A_147, %get3A_148] {strides = array<i32>} : memref<128x128xf32, #tpu.memory_space<vmem>>, vector<1x16xf32>,
        %get3A_150 = vector.shape_cast %get3A_149 : vector<1x16xf32> to vector<16xf32>
        %get3A_151 = arith.index_cast %scan3A_105 : i32 to index
        %get3A_152 = arith.constant 48 : index
        %get3A_153 = tpu.vector_load %arg7[%get3A_151, %get3A_152] {strides = array<i32>} : memref<128x64xf32, #tpu.memory_space<vmem>>, vector<1x16xf32>,
        %get3A_154 = vector.shape_cast %get3A_153 : vector<1x16xf32> to vector<16xf32>
        %add3A_155 = arith.addf %get3A_150, %get3A_154 : vector<16xf32>
        %swap3A_156 = arith.index_cast %scan3A_105 : i32 to index
        %swap3A_157 = arith.constant 48 : index
        %swap3A_158 = tpu.vector_load %arg11[%swap3A_156, %swap3A_157] {strides = array<i32>} : memref<128x64xf32, #tpu.memory_space<vmem>>, vector<1x16xf32>,
        %swap3A_159 = vector.shape_cast %swap3A_158 : vector<1x16xf32> to vector<16xf32>
        %swap3A_160 = vector.shape_cast %add3A_155 : vector<16xf32> to vector<1x16xf32>
        tpu.vector_store %arg11[%swap3A_156, %swap3A_157], %swap3A_160 {strides = array<i32>} : memref<128x64xf32, #tpu.memory_space<vmem>>, vector<1x16xf32>,
        %scan3A_161 = arith.constant 0 : i32
        scf.yield %scan3A_161 : i32
      }
      %scan3A_95 = arith.constant 128 : i32
      %mul3A_96 = arith.constant 128 : i32
      %mul3A_97 = arith.muli %add3A, %mul3A_96 : i32
      %dma_start3A_98 = arith.constant 0 : i32
      %dma_start3A_99 = tpu.memref_slice %arg5[%add3A_70, %mul3A_97, %dma_start3A_98] : memref<200x4096x64xf32, #tpu.memory_space<hbm>> -> memref<1x128x64xf32, #tpu.memory_space<hbm>>
      %dma_start3A_100 = tpu.memref_squeeze %dma_start3A_99 : memref<1x128x64xf32, #tpu.memory_space<hbm>> -> memref<128x64xf32, #tpu.memory_space<hbm>>
      %dma_start3A_101 = arith.constant 0 : i32
      %dma_start3A_102 = tpu.memref_slice %arg5[%add3A_70, %mul3A_97, %dma_start3A_101] : memref<200x4096x64xf32, #tpu.memory_space<hbm>> -> memref<1x128x64xf32, #tpu.memory_space<hbm>>
      %dma_start3A_103 = tpu.memref_squeeze %dma_start3A_102 : memref<1x128x64xf32, #tpu.memory_space<hbm>> -> memref<128x64xf32, #tpu.memory_space<hbm>>
      tpu.enqueue_dma source(%arg11 : memref<128x64xf32, #tpu.memory_space<vmem>>) target(%dma_start3A_103 : memref<128x64xf32, #tpu.memory_space<hbm>>) target_semaphore(%arg15 : memref<!tpu.dma_semaphore, #tpu.memory_space<semaphore_mem>>)
      %scan3A_104 = arith.constant 0 : i32
      scf.yield %scan3A_104 : i32
    }
    %scan3A_14 = arith.constant 100 : i32
    %mul3A_15 = arith.constant 128 : i32
    %mul3A_16 = arith.muli %add3A, %mul3A_15 : i32
    %dma_wait3A = arith.constant 198 : i32
    %dma_wait3A_17 = arith.constant 0 : i32
    %dma_wait3A_18 = tpu.memref_slice %arg5[%dma_wait3A, %mul3A_16, %dma_wait3A_17] : memref<200x4096x64xf32, #tpu.memory_space<hbm>> -> memref<1x128x64xf32, #tpu.memory_space<hbm>>
    %dma_wait3A_19 = tpu.memref_squeeze %dma_wait3A_18 : memref<1x128x64xf32, #tpu.memory_space<hbm>> -> memref<128x64xf32, #tpu.memory_space<hbm>>
    %dma_wait3A_20 = arith.constant 0 : i32
    %dma_wait3A_21 = tpu.memref_slice %arg5[%dma_wait3A, %mul3A_16, %dma_wait3A_20] : memref<200x4096x64xf32, #tpu.memory_space<hbm>> -> memref<1x128x64xf32, #tpu.memory_space<hbm>>
    %dma_wait3A_22 = tpu.memref_squeeze %dma_wait3A_21 : memref<1x128x64xf32, #tpu.memory_space<hbm>> -> memref<128x64xf32, #tpu.memory_space<hbm>>
    tpu.wait_dma2 semaphore(%arg14 : memref<!tpu.dma_semaphore, #tpu.memory_space<semaphore_mem>>) src(%arg10 : memref<128x64xf32, #tpu.memory_space<vmem>>) dst(%dma_wait3A_22 : memref<128x64xf32, #tpu.memory_space<hbm>>)
    %mul3A_23 = arith.constant 128 : i32
    %mul3A_24 = arith.muli %add3A, %mul3A_23 : i32
    %dma_wait3A_25 = arith.constant 199 : i32
    %dma_wait3A_26 = arith.constant 0 : i32
    %dma_wait3A_27 = tpu.memref_slice %arg5[%dma_wait3A_25, %mul3A_24, %dma_wait3A_26] : memref<200x4096x64xf32, #tpu.memory_space<hbm>> -> memref<1x128x64xf32, #tpu.memory_space<hbm>>
    %dma_wait3A_28 = tpu.memref_squeeze %dma_wait3A_27 : memref<1x128x64xf32, #tpu.memory_space<hbm>> -> memref<128x64xf32, #tpu.memory_space<hbm>>
    %dma_wait3A_29 = arith.constant 0 : i32
    %dma_wait3A_30 = tpu.memref_slice %arg5[%dma_wait3A_25, %mul3A_24, %dma_wait3A_29] : memref<200x4096x64xf32, #tpu.memory_space<hbm>> -> memref<1x128x64xf32, #tpu.memory_space<hbm>>
    %dma_wait3A_31 = tpu.memref_squeeze %dma_wait3A_30 : memref<1x128x64xf32, #tpu.memory_space<hbm>> -> memref<128x64xf32, #tpu.memory_space<hbm>>
    tpu.wait_dma2 semaphore(%arg15 : memref<!tpu.dma_semaphore, #tpu.memory_space<semaphore_mem>>) src(%arg11 : memref<128x64xf32, #tpu.memory_space<vmem>>) dst(%dma_wait3A_31 : memref<128x64xf32, #tpu.memory_space<hbm>>)
    return
  }
}

</mosaic_0001>

<sc_bundles>
// kernel: _run.3.cloned.1.call-start
scs
__scs_entry_jumppad:
0x0: {  	(pc) =	sbr.rel $0x88, $3  }
0x1: {  	(tag) =	ssettag $0x0;
	lr =	simm.s32 $0x1  }
0x2: {  	[smem:$0x3F9E] =	sst lr;
	_ =	strace $0xD0000000  }
0x3: {  	_ = 	snop  }
0x4: {  	_ = 	snop  }
0x5: {  	_ = 	snop  }
0x6: {  	_ = 	snop  }
0x7: {  	_ = 	snop  }
__scs_overlays_trampoline_lowered:
0x8: {  	[smem:$0x3FAD] =	sst s0  }
0x9: {  	[smem:$0x3FAE] =	sst s1  }
0xa: {  	[smem:$0x3FAF] =	sst s2  }
0xb: {  	[smem:$0x3FB0] =	sst s3  }
0xc: {  	[smem:$0x3FB1] =	sst s4  }
0xd: {  	[smem:$0x3FB2] =	sst s5  }
0xe: {  	[smem:$0x3FB3] =	sst s6  }
0xf: {  	[smem:$0x3FB4] =	sst s7  }
0x10: {  	[smem:$0x3FB5] =	sst s8  }
0x11: {  	[smem:$0x3FB6] =	sst s9;
	s0 =	simm.s32 @!p0 $0x0  }
0x12: {  	s1 =	sld [smem:$0x3F9C];
	s0 =	simm.s32 @p0 $0x1  }
0x13: {  	[smem:$0x3FB7] =	sst s0;
	s0 =	simm.s32 @!p1 $0x0  }
0x14: {  	s2 =	sld [smem:$0x3F9B];
	s0 =	simm.s32 @p1 $0x1  }
0x15: {  	[smem:$0x3FB8] =	sst s0;
	s0 =	simm.s32 @!p2 $0x0  }
0x16: {  	s3 =	sld [smem:$0x3FDB];
	s0 =	simm.s32 @p2 $0x1  }
0x17: {  	s4 =	simm.s32 $0x1BF5;
	[smem:$0x3FBA] =	sst s0  }
0x18: {  	s0 =	sld [smem:$0x3F9D];
	_ =	swait.ge [sflag:s4], $0x0  }
0x19: {  	s7 =	sld [smem:$0x3F9E]  }
0x1a: {  	s8 =	sadd.s32 $0xFFFFE003, lr  }
0x1b: {  	s9 =	sadd.s32 $0xFFFFFEF7, lr;
	s5 =	simm.s32 $0xFFFFFFFF;
	p2 =	slt.u32 s8, $0xFFFFF086  }
0x1c: {  	p1 =	slt.u32 s9, $0xF7A;
	s5 =	simm.s32 @!p2 $0x0  }
0x1d: {  	s5 =	simm.s32 @p1 $0x1;
	p0 =	seq.s32 s7, s2  }
0x1e: {  	s7 =	smul.u32 @!p0 $0xF7A, s2;
	p2 =	seq.s32 @!p0 s5, $0x0  }
0x1f: {  	s9 =	smul.u32 $0xF7A, s1;
	s8 =	simm.s32 @!p0 $0x1BF5;
	p2 =	por !p2, p0  }
0x20: {  	[sflag:s8] =	ssyncset.s32 @!p0 $0xFFFFF086;
	s6 =	sadd.s32 @!p0 s3, s7;
	s7 =	simm.s32 @!p0 $0x108  }
0x21: {  	s3 =	sadd.s32 s3, s9;
	s6 =	sadd.s32 @!p0 $0x88, s6;
	s7 =	simm.s32 @p2 $0x1082  }
0x22: {  	[simem:s7], [sflag:s8] =	dma.local @!p0 [hbm:s6], $0xF7A  }
0x23: {  	s9 =	sor.u32 $0xD0000000, s2;
	s6 =	simm.s32 $0x108;
	_ =	swait.ge @!p0 [sflag:s8], $0x0  }
0x24: {  	s3 =	sadd.s32 $0x88, s3;
	s6 =	simm.s32 @!p1 $0x1082;
	[sflag:s4] =	ssyncset.s32 $0xFFFFF086  }
0x25: {  	[simem:s6], [sflag:s4] =	dma.local [hbm:s3], $0xF7A  }
0x26: {  	[smem:$0x3F9E] =	sst s1;
	(tag) =	ssettag s2;
	_ =	strace s9  }
0x27: {  	s1 =	sld [smem:$0x3FAE]  }
0x28: {  	s2 =	sld [smem:$0x3FAF]  }
0x29: {  	s4 =	sld [smem:$0x3FB1]  }
0x2a: {  	p0 =	seq.s32 s5, $0x0;
	s5 =	sld [smem:$0x3FB2]  }
0x2b: {  	s6 =	sld [smem:$0x3FB3]  }
0x2c: {  	s7 =	sld [smem:$0x3FB4]  }
0x2d: {  	s3 =	simm.s32 $0x108;
	s8 =	sld [smem:$0x3FB5]  }
0x2e: {  	s3 =	simm.s32 @!p0 $0x1082;
	s9 =	sld [smem:$0x3FB6]  }
0x2f: {  	lr =	sadd.s32 s0, s3;
	s0 =	sld [smem:$0x3FAD]  }
0x30: {  	s3 =	sld [smem:$0x3FB0]  }
0x31: {  	[smem:$0x3FB9] =	sst s10  }
0x32: {  	s10 =	sld [smem:$0x3FB7];
	_ =	sdelay $0x3  }
0x33: {  	p0 =	seq.s32 s10, $0x1;
	s10 =	sld [smem:$0x3FB9];
	_ =	sdelay $0x3  }
0x34: {  	[smem:$0x3FB9] =	sst s10  }
0x35: {  	s10 =	sld [smem:$0x3FB8];
	_ =	sdelay $0x3  }
0x36: {  	p1 =	seq.s32 s10, $0x1;
	s10 =	sld [smem:$0x3FB9];
	_ =	sdelay $0x3  }
0x37: {  	[smem:$0x3FB9] =	sst s10  }
0x38: {  	s10 =	sld [smem:$0x3FBA]  }
0x39: {  	_ = 	snop;
	(pc) =	sbr.ind lr, $3  }
0x3a: {  	_ = 	snop  }
0x3b: {  	_ = 	snop  }
0x3c: {  	p2 =	seq.s32 s10, $0x1;
	s10 =	sld [smem:$0x3FB9]  }
0x3d: {  	_ =	shalt  }
0x3e: {  	_ =	shalt  }
0x3f: {  	_ =	shalt  }
0x40: {  	_ =	shalt  }
0x41: {  	_ =	shalt  }
0x42: {  	_ =	shalt  }
0x43: {  	_ =	shalt  }
0x44: {  	_ =	shalt  }
0x45: {  	_ =	shalt  }
0x46: {  	_ =	shalt  }
0x47: {  	_ =	shalt  }
0x48: {  	_ =	shalt  }
0x49: {  	_ =	shalt  }
0x4a: {  	_ =	shalt  }
0x4b: {  	_ =	shalt  }
0x4c: {  	_ =	shalt  }
0x4d: {  	_ =	shalt  }
0x4e: {  	_ =	shalt  }
0x4f: {  	_ =	shalt  }
0x50: {  	_ =	shalt  }
0x51: {  	_ =	shalt  }
0x52: {  	_ =	shalt  }
0x53: {  	_ =	shalt  }
0x54: {  	_ =	shalt  }
0x55: {  	_ =	shalt  }
0x56: {  	_ =	shalt  }
0x57: {  	_ =	shalt  }
0x58: {  	_ =	shalt  }
0x59: {  	_ =	shalt  }
0x5a: {  	_ =	shalt  }
0x5b: {  	_ =	shalt  }
0x5c: {  	_ =	shalt  }
0x5d: {  	_ =	shalt  }
0x5e: {  	_ =	shalt  }
0x5f: {  	_ =	shalt  }
0x60: {  	_ =	shalt  }
0x61: {  	_ =	shalt  }
0x62: {  	_ =	shalt  }
0x63: {  	_ =	shalt  }
0x64: {  	_ =	shalt  }
0x65: {  	_ =	shalt  }
0x66: {  	_ =	shalt  }
0x67: {  	_ =	shalt  }
0x68: {  	_ =	shalt  }
0x69: {  	_ =	shalt  }
0x6a: {  	_ =	shalt  }
0x6b: {  	_ =	shalt  }
0x6c: {  	_ =	shalt  }
0x6d: {  	_ =	shalt  }
0x6e: {  	_ =	shalt  }
0x6f: {  	_ =	shalt  }
0x70: {  	_ =	shalt  }
0x71: {  	_ =	shalt  }
0x72: {  	_ =	shalt  }
0x73: {  	_ =	shalt  }
0x74: {  	_ =	shalt  }
0x75: {  	_ =	shalt  }
0x76: {  	_ =	shalt  }
0x77: {  	_ =	shalt  }
0x78: {  	_ =	shalt  }
0x79: {  	_ =	shalt  }
0x7a: {  	_ =	shalt  }
0x7b: {  	_ =	shalt  }
0x7c: {  	_ =	shalt  }
0x7d: {  	_ =	shalt  }
0x7e: {  	_ =	shalt  }
0x7f: {  	_ =	shalt  }
0x80: {  	_ =	shalt  }
0x81: {  	_ =	shalt  }
0x82: {  	_ =	shalt  }
0x83: {  	_ =	shalt  }
0x84: {  	_ =	shalt  }
0x85: {  	_ =	shalt  }
0x86: {  	_ =	shalt  }
0x87: {  	_ =	shalt  }
.Lfunc_end0:
.L_simem_size_0:
called_computation_lowered:
.L_overlay_start_0:
0x88: {  	s2 =	sld [smem:$0x3FD9]  }
0x89: {  	s3 =	sld [smem:$0x3FFE];
	_ =	sdelay $0x1  }
0x8a: {  	s1 =	srdreg.scid  }
0x8b: {  	s0 =	sand.u32 $0x1, s1  }
0x8c: {  	s17 =	sshll.u32 s0, $0xA;
	s2 =	sadd.s32 s3, s2  }
0x8d: {  	s2 =	sadd.s32 s2, s17  }
0x8e: {  	[smem:$0x3FC5] =	sst s2  }
0x8f: {  	_ = 	snop  }
0x90: {  	s2 =	sld [smem:$0x3FC9]  }
0x91: {  	s18 =	sld [smem:$0x3FC7]  }
0x92: {  	s4 =	sld [smem:$0x3FD0];
	(tm) =	ssettm $0x1  }
0x93: {  	s5 =	sld [smem:$0x3FFB];
	_ =	sdelay $0x3  }
0x94: {  	_ =	strace s5  }
0x95: {  	s5 =	sld [smem:$0x3FFC];
	_ =	sdelay $0x3  }
0x96: {  	_ =	strace s5  }
0x97: {  	s5 =	sld [smem:$0x3FFD];
	_ =	sdelay $0x3  }
0x98: {  	_ =	strace s5  }
0x99: {  	_ =	strace $0x8FFFFFFF  }
0x9a: {  	s19 =	sld [smem:$0x3FDB];
	_ =	sdelay $0x1  }
0x9b: {  	s6 =	simm.s32 $_scs_section_size  }
0x9c: {  	s7 =	simm.s32 $_size__tile_overlayer_lowered;
	s8 =	simm.s32 $_tile_overlayer_lowered  }
0x9d: {  	s22 =	simm.s32 $0x1BFF;
	s21 =	sshll.u32 s8, $0x1;
	s5 =	sadd.s32 s6, s19  }
0x9e: {  	s9 =	simm.s32 $0x0;
	s20 =	sshll.u32 s7, $0x1;
	s7 =	sadd.s32 s21, s5  }
0x9f: {  	[timem:s9], [sflag:s22] =	dma.local [hbm:s7], s20  }
0xa0: {  	_ =	swait.ge [sflag:s22], s20  }
0xa1: {  	s6 =	ssub.s32 $0x0, s20;
	[sflag:s22] =	ssyncset.done $0x0  }
0xa2: {  	[sflag:s22] =	ssyncadd.s32 s6;
	_ =	sdelay $0x1  }
0xa3: {  	s23 =	simm.s32 $0x1B8B  }
0xa4: {  	_ =	swait.ge [sflag:s23], $0x1  }
0xa5: {  	[sflag:s23] =	ssyncset.done $0x0  }
0xa6: {  	s25 =	simm.s32 $0x1B8E;
	s24 =	sld [smem:$0x3FFE];
	[sflag:s23] =	ssyncadd.s32 $0xFFFFFFFF  }
0xa7: {  	s26 =	simm.s32 $execute0_lowered;
	[smem:$0x3FD2] =	sst s25  }
0xa8: {  	s7 =	sshll.u32 s26, $0x1;
	_ =	strace $0x80000046;
	[dreg:$0x1] =	wrdreg $0xFFFFFFFF  }
0xa9: {  	s28 =	simm.s32 $_size_execute0_lowered;
	s5 =	sadd.s32 s5, s7;
	[dreg:$0x0] =	wrdreg $0x0  }
0xaa: {  	s7 =	sshll.u32 s28, $0x1;
	[dreg:$0x2] =	wrdreg s5  }
0xab: {  	[dreg:$0x3] =	wrdreg s7  }
0xac: {  	[dreg:$0x4] =	wrdreg $0xC0  }
0xad: {  	_ =	task [dreg:s9], $0x5FFFF  }
0xae: {  	[dreg:$0x1] =	wrdreg $0xFFFFFFFF  }
0xaf: {  	[dreg:$0x0] =	wrdreg $0x60  }
0xb0: {  	[dreg:$0x2] =	wrdreg s2  }
0xb1: {  	[dreg:$0x3] =	wrdreg s4  }
0xb2: {  	[dreg:$0x4] =	wrdreg s18  }
0xb3: {  	[dreg:$0x5] =	wrdreg s24  }
0xb4: {  	[dreg:$0x6] =	wrdreg $0x9  }
0xb5: {  	_ =	task.clear_ibuf [dreg:s9], $0x7FFFF;
	_ =	strace $0x90000046  }
0xb6: {  	s29 =	simm.s32 $0x9;
	_ =	strace $0x80000048  }
0xb7: {  	_ =	swait.ge [sflag:s29], $0x1  }
0xb8: {  	[sflag:s29] =	ssyncadd.s32 $0xFFFFFFFF  }
0xb9: {  	_ =	strace $0x90000048  }
0xba: {  	_ =	sfence  }
0xbb: {  	s30 =	sld [smem:$0x0];
	_ =	sdelay $0x2  }
0xbc: {  	s31 =	sshll.u32 s1, $0xD;
	s1 =	sshrl.u32 s1, $0x2  }
0xbd: {  	s3 =	sand.u32 $0x4000, s31;
	s1 =	sadd.s32 s1, s30  }
0xbe: {  	s0 =	sor.u32 s3, s0;
	s1 =	sshll.u32 s1, $0x11  }
0xbf: {  	s0 =	sor.u32 s1, s0  }
0xc0: {  	s0 =	sadd.s32 $0x8F2B, s0  }
0xc1: {  	[sflag:s0] =	ssyncadd.remote.s32 $0x1  }
0xc2: {  	_ =	sfence.sel $0xFFFF  }
0xc3: {  	[dreg:$0x0] =	wrdreg $0xFFFFFFFF;
	(pc) =	sbr.abs _section_cstart, $3  }
0xc4: {  	[dreg:$0x1] =	wrdreg $0xFFFFFFFF  }
0xc5: {  	_ =	task.clear_ibuf [dreg:s9], $0x2FFFF;
	_ =	strace $0x9FFFFFFF  }
0xc6: {  	(tm) =	ssettm $0x7FFFFFFF  }
0xc7: {  	_ =	shalt  }
tec
execute0_lowered:
.L_overlay_start_1:
0x0: {  	(tag) =	ssettag $0x1  }
0x1: {  	s5 =	rddreg [dreg:$0x0]  }
0x2: {  	s7 =	rddreg [dreg:$0x1]  }
0x3: {  	s2 =	rddreg [dreg:$0x2]  }
0x4: {  	s1 =	srdreg.scid;
	s0 =	stileid.u32  }
0x5: {  	s4 =	rddreg [dreg:$0x3];
	s3 =	simm.s32 $0x0;
	s11 =	simm.s32 $0x80  }
0x6: {  	s12 =	simm.s32 $0xA400;
	s13 =	simm.s32 $0xE400;
	s14 =	simm.s32 $0x1  }
0x7: {  	s15 =	simm.s32 $0x12400;
	s16 =	simm.s32 $0x2;
	s17 =	simm.s32 $0x16400  }
0x8: {  	s18 =	simm.s32 $0x3;
	s19 =	simm.s32 $0x4;
	s20 =	simm.s32 $0x0  }
0x9: {  	s6 =	sand.u32 $0x1, s1;
	s8 =	sshll.u32 s0, $0x1;
	s1 =	rddreg [dreg:$0x4]  }
0xa: {  	[smem:$0x7FF] =	sst s3;
	s8 =	sor.u32 s6, s8;
	s6 =	ssub.s32 $0x2, s6  }
0xb: {  	s4 =	sadd.s32 $0x400, s4;
	s9 =	smul.u32 $0xC80, s8;
	s10 =	sshrl.u32 s6, $0x1  }
0xc: {  	_ =	strace $0x80000047;
	s31 =	sshll.u32 s8, $0xB;
	s10 =	ssub.s32 s6, s10  }
0xd: {  	s6 =	sshll.u32 s8, $0xE;
	s7 =	sadd.s32 s7, s31;
	s5 =	sadd.s32 s5, s9  }
0xe: {  	s8 =	smax.u32 s10, $0x1;
	s9 =	simm.s32 $0x5;
	s10 =	simm.s32 $0x6400  }
.LBB2_1:
0xf: {  	[tilespmem:s3], [sflag:$0x5] =	stream.linear.gather [hbm4b:s5+s3], $0x6400, $0x38;
	[tilespmem:$0x1A400] =	vst v63  }
0x10: {  	_ =	swait.ge [sflag:s9], $0x6400  }
0x11: {  	[sflag:s9] =	ssyncset.done $0x0  }
0x12: {  	[sflag:s9] =	ssyncadd.s32 $0xFFFF9C00  }
0x13: {  	[tilespmem:s10], [sflag:$0x5] =	stream.linear.gather [hbm4b:s7+s3], $0x4000, $0x38;
	[tilespmem:$0x1A400] =	vst v63  }
0x14: {  	_ =	swait.ge [sflag:s9], $0x4000  }
0x15: {  	[sflag:s9] =	ssyncset.done $0x0  }
0x16: {  	s21 =	simm.s32 $0x0;
	[sflag:s9] =	ssyncadd.s32 $0xFFFFC000  }
0x17: {  	[tilespmem:s12], [sflag:$0x1] =	stream.indirect.gather [hbm4b:s2+s11], $0x80, s3, s11, $0xb8;
	[tilespmem:$0x1A400] =	vst v63  }
.LBB2_2:
0x18: {  	s22 =	sshllo.u32 s21, $0x1  }
0x19: {  	s23 =	sshll.u32 s22, $0x7  }
0x1a: {  	p0 =	seq.s32 s21, $0x0;
	s23 =	sand.u32 $0x3FFFFF80, s23  }
0x1b: {  	[tilespmem:s13], [sflag:$0x2] =	stream.indirect.gather [hbm4b:s2+s11], $0x80, s23, s11, $0xb8;
	[tilespmem:$0x1A400] =	vst v63  }
0x1c: {  	s23 =	simm.s32 @!p0 $0x3  }
0x1d: {  	_ =	swait.ge @!p0 [sflag:s23], $0x4000  }
0x1e: {  	[sflag:s23] =	ssyncset.done @!p0 $0x0  }
0x1f: {  	[sflag:s23] =	ssyncadd.s32 @!p0 $0xFFFFC000  }
0x20: {  	_ =	swait.ge [sflag:s14], $0x4000  }
0x21: {  	[sflag:s14] =	ssyncset.done $0x0  }
0x22: {  	s24 =	simm.s32 $0x0;
	[sflag:s14] =	ssyncadd.s32 $0xFFFFC000  }
0x23: {  	v2 =	vld [tilespmem:s24+$0xA430]  }
0x24: {  	v4 =	vld [tilespmem:s24+$0x6430]  }
0x25: {  	v5 =	vld [tilespmem:s24+$0xA400]  }
0x26: {  	v6 =	vld [tilespmem:s24+$0x6400]  }
0x27: {  	v1 =	vld [tilespmem:s24+$0xA410]  }
0x28: {  	v3 =	vld [tilespmem:s24+$0x6410]  }
0x29: {  	v0 =	vld [tilespmem:s24+$0xA420];
	v7 =	vadd.f32 v4, v2  }
0x2a: {  	s23 =	simm.s32 $0x80;
	v4 =	vld [tilespmem:s24+$0x6420]  }
0x2b: {  	s25 =	simm.s32 $0x400;
	v2 =	vld [tilespmem:s23+$0xA430];
	v5 =	vadd.f32 v6, v5;
	[tilespmem:s24+$0x12430] =	vst v7  }
.LBB2_3:
0x2c: {  	p0 =	sne.s32 s25, $0xFE00;
	v6 =	vld [tilespmem:s23+$0x6430]  }
0x2d: {  	v7 =	vld [tilespmem:s23+$0xA400];
	[tilespmem:s24+$0x12400] =	vst v5;
	v3 =	vadd.f32 v3, v1  }
0x2e: {  	v5 =	vld [tilespmem:s23+$0x6400]  }
.Ltmp0:
0x2f: {  	v1 =	vld [tilespmem:s23+$0xA410];
	[tilespmem:s24+$0x12410] =	vst v3;
	v4 =	vadd.f32 v4, v0;
	(pc) =	sbr.rel @p0 .LBB2_3-.Ltmp0, $4  }
0x30: {  	v3 =	vld [tilespmem:s23+$0x6410]  }
0x31: {  	v0 =	vld [tilespmem:s23+$0xA420];
	v6 =	vadd.f32 v6, v2;
	[tilespmem:s24+$0x12420] =	vst v4;
	s24 =	smov.u32 s23  }
0x32: {  	s23 =	sshra.s32 s25, $0x2;
	v4 =	vld [tilespmem:s24+$0x6420]  }
0x33: {  	s25 =	sadd.s32 $0x200, s25;
	v2 =	vld [tilespmem:s23+$0xA430];
	v5 =	vadd.f32 v5, v7;
	[tilespmem:s24+$0x12430] =	vst v6  }
0x34: {  	v6 =	vld [tilespmem:s23+$0x6430]  }
0x35: {  	v7 =	vld [tilespmem:s23+$0xA400];
	[tilespmem:s24+$0x12400] =	vst v5;
	v1 =	vadd.f32 v3, v1  }
0x36: {  	v3 =	vld [tilespmem:s23+$0x6400]  }
0x37: {  	v5 =	vld [tilespmem:s23+$0xA410];
	[tilespmem:s24+$0x12410] =	vst v1;
	v0 =	vadd.f32 v4, v0  }
0x38: {  	v1 =	vld [tilespmem:s23+$0x6410]  }
0x39: {  	v4 =	vld [tilespmem:s23+$0xA420];
	[tilespmem:s24+$0x12420] =	vst v0  }
0x3a: {  	v0 =	vld [tilespmem:s23+$0x6420];
	_ =	sdelay $0x1  }
0x3b: {  	v2 =	vadd.f32 v6, v2  }
0x3c: {  	v3 =	vadd.f32 v3, v7  }
0x3d: {  	s30 =	sshll.u32 s21, $0x14;
	[tilespmem:s23+$0x12430] =	vst v2;
	v1 =	vadd.f32 v1, v5  }
0x3e: {  	s24 =	sor.u32 s6, s30;
	[tilespmem:s23+$0x12400] =	vst v3;
	v0 =	vadd.f32 v0, v4  }
0x3f: {  	p0 =	seq.s32 s21, $0x63;
	s24 =	sshrl.u32 s24, $0x3;
	[tilespmem:s23+$0x12410] =	vst v1  }
0x40: {  	s31 =	sadd.s32 s4, s24;
	[tilespmem:s23+$0x12420] =	vst v0;
	s23 =	sshll.u32 @!p0 s21, $0x8  }
0x41: {  	[hbm4b:s31+s3] =	stream.linear.scatter [tilespmem:s15], [sflag:$0x3], $0x4000, $0x38;
	[tilespmem:$0x1A400] =	vst v63  }
0x42: {  	p1 =	seq.s32 @!p0 s21, $0x0;
	s23 =	sand.u32 @!p0 $0x3FFFFF00, s23  }
0x43: {  	s25 =	simm.s32 @!p0 $0xA400;
	s24 =	simm.s32 @!p0 $0x80;
	s23 =	sadd.s32 @!p0 $0x100, s23  }
0x44: {  	[tilespmem:s25], [sflag:$0x1] =	stream.indirect.gather @!p0 [hbm4b:s2+s24], $0x80, s23, s24, $0xb8;
	[tilespmem:$0x1A400] =	vst v63  }
0x45: {  	p0 =	por p0, !p1  }
0x46: {  	_ =	swait.ge @p0 [sflag:s19], $0x4000  }
0x47: {  	[sflag:s19] =	ssyncset.done @p0 $0x0  }
0x48: {  	[sflag:s19] =	ssyncadd.s32 @p0 $0xFFFFC000  }
0x49: {  	_ =	swait.ge [sflag:s16], $0x4000  }
0x4a: {  	[sflag:s16] =	ssyncset.done $0x0  }
0x4b: {  	s24 =	simm.s32 $0x0;
	[sflag:s16] =	ssyncadd.s32 $0xFFFFC000  }
0x4c: {  	v2 =	vld [tilespmem:s24+$0xE430]  }
0x4d: {  	v4 =	vld [tilespmem:s24+$0x6430]  }
0x4e: {  	v5 =	vld [tilespmem:s24+$0xE400]  }
0x4f: {  	v6 =	vld [tilespmem:s24+$0x6400]  }
0x50: {  	v1 =	vld [tilespmem:s24+$0xE410]  }
0x51: {  	v3 =	vld [tilespmem:s24+$0x6410]  }
0x52: {  	v0 =	vld [tilespmem:s24+$0xE420];
	v7 =	vadd.f32 v4, v2  }
0x53: {  	s23 =	simm.s32 $0x80;
	v4 =	vld [tilespmem:s24+$0x6420]  }
0x54: {  	s25 =	simm.s32 $0x400;
	v2 =	vld [tilespmem:s23+$0xE430];
	v5 =	vadd.f32 v6, v5;
	[tilespmem:s24+$0x16430] =	vst v7  }
.LBB2_5:
0x55: {  	p0 =	sne.s32 s25, $0xFE00;
	v6 =	vld [tilespmem:s23+$0x6430]  }
0x56: {  	v7 =	vld [tilespmem:s23+$0xE400];
	[tilespmem:s24+$0x16400] =	vst v5;
	v3 =	vadd.f32 v3, v1  }
0x57: {  	v5 =	vld [tilespmem:s23+$0x6400]  }
.Ltmp1:
0x58: {  	v1 =	vld [tilespmem:s23+$0xE410];
	[tilespmem:s24+$0x16410] =	vst v3;
	v4 =	vadd.f32 v4, v0;
	(pc) =	sbr.rel @p0 .LBB2_5-.Ltmp1, $4  }
0x59: {  	v3 =	vld [tilespmem:s23+$0x6410]  }
0x5a: {  	v0 =	vld [tilespmem:s23+$0xE420];
	v6 =	vadd.f32 v6, v2;
	[tilespmem:s24+$0x16420] =	vst v4;
	s24 =	smov.u32 s23  }
0x5b: {  	s23 =	sshra.s32 s25, $0x2;
	v4 =	vld [tilespmem:s24+$0x6420]  }
0x5c: {  	s25 =	sadd.s32 $0x200, s25;
	v2 =	vld [tilespmem:s23+$0xE430];
	v5 =	vadd.f32 v5, v7;
	[tilespmem:s24+$0x16430] =	vst v6  }
0x5d: {  	v6 =	vld [tilespmem:s23+$0x6430]  }
0x5e: {  	v7 =	vld [tilespmem:s23+$0xE400];
	[tilespmem:s24+$0x16400] =	vst v5;
	v1 =	vadd.f32 v3, v1  }
0x5f: {  	v62 =	vld [tilespmem:s23+$0x6400]  }
0x60: {  	v5 =	vld [tilespmem:s23+$0xE410];
	[tilespmem:s24+$0x16410] =	vst v1;
	v0 =	vadd.f32 v4, v0  }
0x61: {  	v1 =	vld [tilespmem:s23+$0x6410]  }
0x62: {  	v63 =	vld [tilespmem:s23+$0xE420];
	[tilespmem:s24+$0x16420] =	vst v0  }
0x63: {  	v0 =	vld [tilespmem:s23+$0x6420];
	_ =	sdelay $0x1  }
0x64: {  	s21 =	sadd.s32 $0x1, s21;
	v2 =	vadd.f32 v6, v2  }
0x65: {  	p0 =	sne.s32 s21, $0x64;
	v3 =	vadd.f32 v62, v7  }
.Ltmp2:
0x66: {  	s22 =	sshll.u32 s22, $0x13;
	[tilespmem:s23+$0x16430] =	vst v2;
	v1 =	vadd.f32 v1, v5;
	(pc) =	sbr.rel @p0 .LBB2_2-.Ltmp2, $4  }
0x67: {  	s22 =	sor.u32 s6, s22;
	[tilespmem:s23+$0x16400] =	vst v3;
	v0 =	vadd.f32 v0, v63  }
0x68: {  	s22 =	sshrl.u32 s22, $0x3;
	[tilespmem:s23+$0x16410] =	vst v1  }
0x69: {  	s22 =	sadd.s32 s4, s22;
	[tilespmem:s23+$0x16420] =	vst v0  }
0x6a: {  	[hbm4b:s22+s3] =	stream.linear.scatter [tilespmem:s17], [sflag:$0x4], $0x4000, $0x38;
	[tilespmem:$0x1A400] =	vst v63  }
0x6b: {  	s20 =	sadd.s32 $0x1, s20  }
0x6c: {  	_ =	swait.ge [sflag:s18], $0x4000;
	p0 =	sne.s32 s20, s8  }
.Ltmp3:
0x6d: {  	[sflag:s18] =	ssyncset.done $0x0;
	(pc) =	sbr.rel @p0 .LBB2_1-.Ltmp3, $4  }
0x6e: {  	[sflag:s18] =	ssyncadd.s32 $0xFFFFC000  }
0x6f: {  	_ =	swait.ge [sflag:s19], $0x4000  }
0x70: {  	[sflag:s19] =	ssyncset.done $0x0  }
0x71: {  	[sflag:s19] =	ssyncadd.s32 $0xFFFFC000  }
0x72: {  	_ =	sfence.sel $0x180000  }
0x73: {  	[bflag:$0x0] =	sbarrier.arrive $0xFFFF  }
0x74: {  	p0 =	sne.s32 s0, $0x0;
	_ =	strace $0x90000047  }
0x75: {  	s0 =	sadd.s32 @!p0 $0x100000, s1;
	[bflag:$0x2] =	sbarrier.arrive $0xFFFF  }
0x76: {  	[sflag:s0] =	ssyncadd.tile.s32 @!p0 $0x1;
	_ =	shalt  }
.Lfunc_end2:
_tile_overlayer_lowered:
.L_overlay_start_2:
0x77: {  	(tag) =	ssettag $0x2  }
0x78: {  	s0 =	rddreg [dreg:$0x0];
	s2 =	stileid.u32  }
0x79: {  	s1 =	rddreg [dreg:$0x1];
	p0 =	sne.s32 s2, $0x0  }
0x7a: {  	s3 =	rddreg [dreg:$0x2];
	[bflag:$0x3] =	sbarrier.arrive $0xFFFF;
	s2 =	simm.s32 @!p0 $0x1C05  }
0x7b: {  	[timem:s3], [sflag:s2] =	dma.local @!p0 [hbm:s0], s1  }
0x7c: {  	s0 =	simm.s32 @!p0 $0x5  }
0x7d: {  	_ =	swait.ge @!p0 [sflag:s0], s1  }
0x7e: {  	s1 =	ssub.s32 @!p0 $0x0, s1;
	[sflag:s0] =	ssyncset.done @!p0 $0x0  }
0x7f: {  	[sflag:s0] =	ssyncadd.s32 @!p0 s1  }
0x80: {  	[bflag:$0x3] =	sbarrier.arrive $0xFFFF  }
0x81: {  	_ =	shalt  }

</sc_bundles>
